<compile_context>
chip_gen: v7x
topology: tpu7x:2x2x1
jax: 0.10.2.dev20260603
libtpu: 0.0.44.dev20260713+nightly
codegen_flags: <defaults>
</compile_context>

<pallas_src>
import jax
import jax.numpy as jnp
from jax.experimental import pallas as pl

_EPS = 1e-12


def _prep_body(v_out_ref, g_out_ref, w_out_ref):
    v_out = v_out_ref[...]
    norm_out = jnp.sqrt(jnp.sum(v_out * v_out, axis=1, keepdims=True))
    w_out_ref[...] = g_out_ref[...] * v_out / norm_out


def _prep_w_out(V_out, g_out):
    D, CD = V_out.shape
    return pl.pallas_call(
        _prep_body,
        out_shape=jax.ShapeDtypeStruct((D, CD), jnp.float32),
    )(V_out, g_out.reshape(D, 1))


def _output_body(zq_ref, ze_ref, w_out_ref, b_out_ref, out_ref, loss_ref):
    zq = zq_ref[0]
    ze = ze_ref[0]
    diff = zq - ze
    zq_st = ze + diff

    @pl.when(pl.program_id(1) == 0)
    def _():
        loss_ref[...] = jnp.zeros_like(loss_ref)

    loss_ref[...] += jnp.sum(diff * diff).reshape(1, 1, 1)
    out_ref[0] = jnp.dot(w_out_ref[...], zq_st,
                         preferred_element_type=jnp.float32) + b_out_ref[...]


def _output(z_q_fm, z_e_fm, W_out, b_out, Tb=256):
    B, CD, T = z_e_fm.shape
    D = W_out.shape[0]
    return pl.pallas_call(
        _output_body,
        grid=(B, T // Tb),
        in_specs=[
            pl.BlockSpec((1, CD, Tb), lambda b, t: (b, 0, t)),
            pl.BlockSpec((1, CD, Tb), lambda b, t: (b, 0, t)),
            pl.BlockSpec((D, CD), lambda b, t: (0, 0)),
            pl.BlockSpec((D, 1), lambda b, t: (0, 0)),
        ],
        out_specs=[
            pl.BlockSpec((1, D, Tb), lambda b, t: (b, 0, t)),
            pl.BlockSpec((1, 1, 1), lambda b, t: (b, 0, 0)),
        ],
        out_shape=(
            jax.ShapeDtypeStruct((B, D, T), jnp.float32),
            jax.ShapeDtypeStruct((B, 1, 1), jnp.float32),
        ),
    )(z_q_fm, z_e_fm, W_out, b_out.reshape(D, 1))


def kernel(z, V_in, g_in, b_in, V_out, g_out, b_out, codebook):
    B, D, T = z.shape
    CD = V_in.shape[0]

    zt = jnp.transpose(z, (0, 2, 1))
    norm_in = jnp.sqrt(jnp.sum(V_in * V_in, axis=1, keepdims=True))
    W_in = g_in[:, None] * V_in / norm_in
    z_e_btd = zt @ W_in.T + b_in
    enc = z_e_btd.reshape(B * T, CD)
    enc_n = enc / jnp.maximum(
        jnp.linalg.norm(enc, axis=1, keepdims=True), _EPS)
    cb_n = codebook / jnp.maximum(
        jnp.linalg.norm(codebook, axis=1, keepdims=True), _EPS)
    dist = (jnp.sum(enc_n**2, axis=1, keepdims=True)
            - 2.0 * (enc_n @ cb_n.T)
            + jnp.sum(cb_n**2, axis=1, keepdims=True).T)
    indices = jnp.argmax(-dist, axis=1).reshape(B, T)

    z_q_btd = jnp.take(codebook, indices, axis=0)
    z_q_fm = jnp.transpose(z_q_btd, (0, 2, 1))
    z_e_fm = jnp.transpose(z_e_btd, (0, 2, 1))

    W_out = _prep_w_out(V_out, g_out)
    z_q_out, loss3 = _output(z_q_fm, z_e_fm, W_out, b_out)
    commit_loss = loss3.reshape(B) * jnp.float32(1.25 / (CD * T))
    return (z_q_out, indices, commit_loss)

# --- scband reference (transcript-rebuilt; emitter-appended) ---
"""Pipeline reference for scband-factorized-vector-quantize-54778012893270 (READ-ONLY COPY).

The authoritative reference and input builder live on the scoring server;
editing this copy changes nothing except your own understanding.
"""

import jax, jax.numpy as jnp
import numpy as np


def _wn_linear(x, V, g, b):
    # torch weight_norm(nn.Linear) with dim=0: W = g * V / ||V||_row (norm over input dim)
    norm = jnp.sqrt(jnp.sum(V * V, axis=1, keepdims=True))
    W = g[:, None] * V / norm
    return x @ W.T + b


def _l2_normalize(x, eps=1e-12):
    # matches F.normalize(p=2, dim=1)
    n = jnp.linalg.norm(x, axis=1, keepdims=True)
    return x / jnp.maximum(n, eps)


def setup_inputs(seed: int = 0) -> dict:
    key = jax.random.key(seed)
    ks = jax.random.split(key, 8)
    B, D, T = 4, 768, 1024
    K, CD = 8192, 256
    z = jax.random.normal(ks[0], (B, D, T), dtype=jnp.float32)
    V_in = jax.random.normal(ks[1], (CD, D), dtype=jnp.float32) * 0.02
    g_in = jnp.ones((CD,), dtype=jnp.float32)
    b_in = jnp.zeros((CD,), dtype=jnp.float32)
    V_out = jax.random.normal(ks[2], (D, CD), dtype=jnp.float32) * 0.02
    g_out = jnp.ones((D,), dtype=jnp.float32)
    b_out = jnp.zeros((D,), dtype=jnp.float32)
    codebook = jax.random.normal(ks[3], (K, CD), dtype=jnp.float32)
    return {"z": z, "V_in": V_in, "g_in": g_in, "b_in": b_in,
            "V_out": V_out, "g_out": g_out, "b_out": b_out, "codebook": codebook}


def reference(z, V_in, g_in, b_in, V_out, g_out, b_out, codebook):
    commitment = 0.25
    B, D, T = z.shape
    # b d t -> b t d
    zt = jnp.transpose(z, (0, 2, 1))
    z_e_btd = _wn_linear(zt, V_in, g_in, b_in)      # [B, T, CD]
    z_e = jnp.transpose(z_e_btd, (0, 2, 1))          # [B, CD, T]

    # decode_latents
    encodings = z_e_btd.reshape(B * T, -1)           # (b t) d
    enc_n = _l2_normalize(encodings)
    cb_n = _l2_normalize(codebook)
    dist = (jnp.sum(enc_n ** 2, axis=1, keepdims=True)
            - 2.0 * (enc_n @ cb_n.T)
            + jnp.sum(cb_n ** 2, axis=1, keepdims=True).T)
    indices = jnp.argmax(-dist, axis=1).reshape(B, T)  # [B, T]
    # embed_code uses the ORIGINAL (unnormalized) codebook weight
    z_q_btd = jnp.take(codebook, indices, axis=0)     # [B, T, CD]
    z_q = jnp.transpose(z_q_btd, (0, 2, 1))           # [B, CD, T]

    # training-mode losses
    commitment_loss = jnp.mean((z_e - jax.lax.stop_gradient(z_q)) ** 2, axis=(1, 2)) * commitment
    codebook_loss = jnp.mean((z_q - jax.lax.stop_gradient(z_e)) ** 2, axis=(1, 2))
    commit_loss = commitment_loss + codebook_loss

    # straight-through estimator
    z_q = z_e + jax.lax.stop_gradient(z_q - z_e)
    z_q_t = jnp.transpose(z_q, (0, 2, 1))
    z_q_t = _wn_linear(z_q_t, V_out, g_out, b_out)
    z_q = jnp.transpose(z_q_t, (0, 2, 1))             # [B, D, T]
    return (z_q, indices, commit_loss)

if __name__ == "__main__":
    import jax
    _d = setup_inputs()
    print(jax.jit(kernel)(*tuple(_d.values())))

</pallas_src>

<mosaic_0001>
module attributes {stable_mosaic.version = 14 : i64} {
  func.func @_prep_body(%arg0: memref<768x256xf32, #tpu.memory_space<vmem>>, %arg1: memref<768x1xf32, #tpu.memory_space<vmem>>, %arg2: memref<768x256xf32, #tpu.memory_space<vmem>>) attributes {dimension_semantics = [], scalar_prefetch = 0 : i64, scratch_operands = 0 : i64, tpu.core_type = #tpu.core_type<tc>} {
    %get3A = arith.constant 0 : index
    %get3A_0 = arith.constant 0 : index
    %get3A_1 = vector.load %arg0[%get3A, %get3A_0] : memref<768x256xf32, #tpu.memory_space<vmem>>, vector<768x256xf32>
    %mul3A = arith.mulf %get3A_1, %get3A_1 : vector<768x256xf32>
    %reduce_sum3A = arith.constant dense<0.000000e+00> : vector<768xf32>
    %reduce_sum3A_2 = vector.multi_reduction <add>, %mul3A, %reduce_sum3A [1] : vector<768x256xf32> to vector<768xf32>
    %broadcast_in_dim3A = vector.shape_cast %reduce_sum3A_2 : vector<768xf32> to vector<768x1xf32>
    %sqrt3A = math.sqrt %broadcast_in_dim3A : vector<768x1xf32>
    %get3A_3 = arith.constant 0 : index
    %get3A_4 = arith.constant 0 : index
    %get3A_5 = vector.load %arg1[%get3A_3, %get3A_4] : memref<768x1xf32, #tpu.memory_space<vmem>>, vector<768x1xf32>
    %mul3A_6 = vector.broadcast %get3A_5 : vector<768x1xf32> to vector<768x256xf32>
    %mul3A_7 = arith.mulf %mul3A_6, %get3A_1 : vector<768x256xf32>
    %div3A = vector.broadcast %sqrt3A : vector<768x1xf32> to vector<768x256xf32>
    %div3A_8 = arith.divf %mul3A_7, %div3A : vector<768x256xf32>
    %swap3A = arith.constant 0 : index
    %swap3A_9 = arith.constant 0 : index
    %swap3A_10 = vector.load %arg2[%swap3A, %swap3A_9] : memref<768x256xf32, #tpu.memory_space<vmem>>, vector<768x256xf32>
    tpu.vector_store %arg2[%swap3A, %swap3A_9], %div3A_8 {strides = array<i32>} : memref<768x256xf32, #tpu.memory_space<vmem>>, vector<768x256xf32>,
    return
  }
}

module attributes {stable_mosaic.version = 14 : i64} {
  func.func @_output_body(%arg0: i32, %arg1: i32, %arg2: memref<1x256x256xf32, #tpu.memory_space<vmem>>, %arg3: memref<1x256x256xf32, #tpu.memory_space<vmem>>, %arg4: memref<768x256xf32, #tpu.memory_space<vmem>>, %arg5: memref<768x1xf32, #tpu.memory_space<vmem>>, %arg6: memref<1x768x256xf32, #tpu.memory_space<vmem>>, %arg7: memref<1x1x1xf32, #tpu.memory_space<vmem>>) attributes {dimension_semantics = [#tpu.dimension_semantics<arbitrary>, #tpu.dimension_semantics<arbitrary>], iteration_bounds = array<i64: 4, 4>, scalar_prefetch = 0 : i64, scratch_operands = 0 : i64, tpu.core_type = #tpu.core_type<tc>, window_params = [{transform_indices = @transform_0, window_bounds = array<i64: 1, 256, 256>}, {transform_indices = @transform_1, window_bounds = array<i64: 1, 256, 256>}, {pipeline_mode = #tpu.pipeline_mode<synchronous>, transform_indices = @transform_2, window_bounds = array<i64: 768, 256>}, {pipeline_mode = #tpu.pipeline_mode<synchronous>, transform_indices = @transform_3, window_bounds = array<i64: 768, 1>}, {transform_indices = @transform_4, window_bounds = array<i64: 1, 768, 256>}, {transform_indices = @transform_5, window_bounds = array<i64: 1, 1, 1>}]} {
    %get3A = arith.constant 0 : index
    %get3A_0 = arith.constant 0 : index
    %get3A_1 = arith.constant 0 : index
    %get3A_2 = vector.load %arg2[%get3A, %get3A_0, %get3A_1] : memref<1x256x256xf32, #tpu.memory_space<vmem>>, vector<1x256x256xf32>
    %get3A_3 = vector.shape_cast %get3A_2 : vector<1x256x256xf32> to vector<256x256xf32>
    %get3A_4 = arith.constant 0 : index
    %get3A_5 = arith.constant 0 : index
    %get3A_6 = arith.constant 0 : index
    %get3A_7 = vector.load %arg3[%get3A_4, %get3A_5, %get3A_6] : memref<1x256x256xf32, #tpu.memory_space<vmem>>, vector<1x256x256xf32>
    %get3A_8 = vector.shape_cast %get3A_7 : vector<1x256x256xf32> to vector<256x256xf32>
    %sub3A = arith.subf %get3A_3, %get3A_8 : vector<256x256xf32>
    %add3A = arith.addf %get3A_8, %sub3A : vector<256x256xf32>
    %eq3A = arith.constant 0 : i32
    %eq3A_9 = arith.cmpi eq, %arg1, %eq3A : i32
    %convert_element_type3A = arith.extui %eq3A_9 : i1 to i32
    %cond3A = arith.constant 0 : i32
    %cond3A_10 = arith.cmpi ne, %convert_element_type3A, %cond3A : i32
    scf.if %cond3A_10 {
      %broadcast_in_dim3A = arith.constant 0.000000e+00 : f32
      %broadcast_in_dim3A_38 = vector.broadcast %broadcast_in_dim3A : f32 to vector<1x1x1xf32>
      %swap3A_39 = arith.constant 0 : index
      %swap3A_40 = arith.constant 0 : index
      %swap3A_41 = arith.constant 0 : index
      %swap3A_42 = vector.load %arg7[%swap3A_39, %swap3A_40, %swap3A_41] : memref<1x1x1xf32, #tpu.memory_space<vmem>>, vector<1x1x1xf32>
      tpu.vector_store %arg7[%swap3A_39, %swap3A_40, %swap3A_41], %broadcast_in_dim3A_38 {strides = array<i32>} : memref<1x1x1xf32, #tpu.memory_space<vmem>>, vector<1x1x1xf32>,
    } else {
    }
    %get3A_11 = arith.constant 0 : index
    %get3A_12 = arith.constant 0 : index
    %get3A_13 = arith.constant 0 : index
    %get3A_14 = vector.load %arg7[%get3A_11, %get3A_12, %get3A_13] : memref<1x1x1xf32, #tpu.memory_space<vmem>>, vector<1x1x1xf32>
    %mul3A = arith.mulf %sub3A, %sub3A : vector<256x256xf32>
    %reduce_sum3A = vector.shape_cast %mul3A : vector<256x256xf32> to vector<1x256x256xf32>
    %reduce_sum3A_15 = arith.constant dense<0.000000e+00> : vector<1xf32>
    %reduce_sum3A_16 = vector.multi_reduction <add>, %reduce_sum3A, %reduce_sum3A_15 [1, 2] : vector<1x256x256xf32> to vector<1xf32>
    %reduce_sum3A_17 = vector.shape_cast %reduce_sum3A_16 : vector<1xf32> to vector<1x1x1xf32>
    %reduce_sum3A_18 = vector.extract %reduce_sum3A_17[0, 0, 0] : f32 from vector<1x1x1xf32>
    %reshape3A = vector.broadcast %reduce_sum3A_18 : f32 to vector<1x1x1xf32>
    %add3A_19 = arith.addf %get3A_14, %reshape3A : vector<1x1x1xf32>
    %swap3A = arith.constant 0 : index
    %swap3A_20 = arith.constant 0 : index
    %swap3A_21 = arith.constant 0 : index
    %swap3A_22 = vector.load %arg7[%swap3A, %swap3A_20, %swap3A_21] : memref<1x1x1xf32, #tpu.memory_space<vmem>>, vector<1x1x1xf32>
    tpu.vector_store %arg7[%swap3A, %swap3A_20, %swap3A_21], %add3A_19 {strides = array<i32>} : memref<1x1x1xf32, #tpu.memory_space<vmem>>, vector<1x1x1xf32>,
    %get3A_23 = arith.constant 0 : index
    %get3A_24 = arith.constant 0 : index
    %get3A_25 = vector.load %arg4[%get3A_23, %get3A_24] : memref<768x256xf32, #tpu.memory_space<vmem>>, vector<768x256xf32>
    %dot_general3A = arith.constant dense<0.000000e+00> : vector<768x256xf32>
    %dot_general3A_26 = tpu.matmul %get3A_25, %add3A, %dot_general3A {dimension_numbers = #tpu.dot_dimension_numbers<[1], [0], [0], [1], [0, 0, 1, 1], [], []>, transpose_lhs_hint = false} : vector<768x256xf32>, vector<256x256xf32>, vector<768x256xf32> -> vector<768x256xf32>
    %get3A_27 = arith.constant 0 : index
    %get3A_28 = arith.constant 0 : index
    %get3A_29 = vector.load %arg5[%get3A_27, %get3A_28] : memref<768x1xf32, #tpu.memory_space<vmem>>, vector<768x1xf32>
    %add3A_30 = vector.broadcast %get3A_29 : vector<768x1xf32> to vector<768x256xf32>
    %add3A_31 = arith.addf %dot_general3A_26, %add3A_30 : vector<768x256xf32>
    %swap3A_32 = arith.constant 0 : index
    %swap3A_33 = arith.constant 0 : index
    %swap3A_34 = arith.constant 0 : index
    %swap3A_35 = vector.load %arg6[%swap3A_32, %swap3A_33, %swap3A_34] : memref<1x768x256xf32, #tpu.memory_space<vmem>>, vector<1x768x256xf32>
    %swap3A_36 = vector.shape_cast %swap3A_35 : vector<1x768x256xf32> to vector<768x256xf32>
    %swap3A_37 = vector.shape_cast %add3A_31 : vector<768x256xf32> to vector<1x768x256xf32>
    tpu.vector_store %arg6[%swap3A_32, %swap3A_33, %swap3A_34], %swap3A_37 {strides = array<i32>} : memref<1x768x256xf32, #tpu.memory_space<vmem>>, vector<1x768x256xf32>,
    return
  }
  func.func @transform_0(%arg0: i32, %arg1: i32) -> (i32, i32, i32) {
    %c0_i32 = arith.constant 0 : i32
    %c0_i32_0 = arith.constant 0 : i32
    return %arg0, %c0_i32, %arg1 : i32, i32, i32
  }
  func.func @transform_1(%arg0: i32, %arg1: i32) -> (i32, i32, i32) {
    %c0_i32 = arith.constant 0 : i32
    %c0_i32_0 = arith.constant 0 : i32
    return %arg0, %c0_i32, %arg1 : i32, i32, i32
  }
  func.func @transform_2(%arg0: i32, %arg1: i32) -> (i32, i32) {
    %c0_i32 = arith.constant 0 : i32
    %c0_i32_0 = arith.constant 0 : i32
    %c0_i32_1 = arith.constant 0 : i32
    return %c0_i32, %c0_i32_0 : i32, i32
  }
  func.func @transform_3(%arg0: i32, %arg1: i32) -> (i32, i32) {
    %c0_i32 = arith.constant 0 : i32
    %c0_i32_0 = arith.constant 0 : i32
    %c0_i32_1 = arith.constant 0 : i32
    return %c0_i32, %c0_i32_0 : i32, i32
  }
  func.func @transform_4(%arg0: i32, %arg1: i32) -> (i32, i32, i32) {
    %c0_i32 = arith.constant 0 : i32
    %c0_i32_0 = arith.constant 0 : i32
    return %arg0, %c0_i32, %arg1 : i32, i32, i32
  }
  func.func @transform_5(%arg0: i32, %arg1: i32) -> (i32, i32, i32) {
    %c0_i32 = arith.constant 0 : i32
    %c0_i32_0 = arith.constant 0 : i32
    %c0_i32_1 = arith.constant 0 : i32
    return %arg0, %c0_i32, %c0_i32_0 : i32, i32, i32
  }
}

</mosaic_0001>

<sc_bundles>
// kernel: gather_offload_async_start
scs
__scs_entry_jumppad:
0x0: {  	(pc) =	sbr.rel $0x88, $3  }
0x1: {  	(tag) =	ssettag $0x0;
	lr =	simm.s32 $0x1  }
0x2: {  	[smem:$0x3F99] =	sst lr;
	_ =	strace $0xD0000000  }
0x3: {  	_ = 	snop  }
0x4: {  	_ = 	snop  }
0x5: {  	_ = 	snop  }
0x6: {  	_ = 	snop  }
0x7: {  	_ = 	snop  }
__scs_overlays_trampoline_lowered:
0x8: {  	[smem:$0x3FA8] =	sst s0  }
0x9: {  	[smem:$0x3FA9] =	sst s1  }
0xa: {  	[smem:$0x3FAA] =	sst s2  }
0xb: {  	[smem:$0x3FAB] =	sst s3  }
0xc: {  	[smem:$0x3FAC] =	sst s4  }
0xd: {  	[smem:$0x3FAD] =	sst s5  }
0xe: {  	[smem:$0x3FAE] =	sst s6  }
0xf: {  	[smem:$0x3FAF] =	sst s7  }
0x10: {  	[smem:$0x3FB0] =	sst s8  }
0x11: {  	[smem:$0x3FB1] =	sst s9;
	s0 =	simm.s32 @!p0 $0x0  }
0x12: {  	s1 =	sld [smem:$0x3F97];
	s0 =	simm.s32 @p0 $0x1  }
0x13: {  	[smem:$0x3FB2] =	sst s0;
	s0 =	simm.s32 @!p1 $0x0  }
0x14: {  	s2 =	sld [smem:$0x3F96];
	s0 =	simm.s32 @p1 $0x1  }
0x15: {  	[smem:$0x3FB3] =	sst s0;
	s0 =	simm.s32 @!p2 $0x0  }
0x16: {  	s3 =	sld [smem:$0x3FDB];
	s0 =	simm.s32 @p2 $0x1  }
0x17: {  	s4 =	simm.s32 $0x1BF5;
	[smem:$0x3FB5] =	sst s0  }
0x18: {  	s0 =	sld [smem:$0x3F98];
	_ =	swait.ge [sflag:s4], $0x0  }
0x19: {  	s7 =	sld [smem:$0x3F99]  }
0x1a: {  	s8 =	sadd.s32 $0xFFFFE003, lr  }
0x1b: {  	s9 =	sadd.s32 $0xFFFFFEF7, lr;
	s5 =	simm.s32 $0xFFFFFFFF;
	p2 =	slt.u32 s8, $0xFFFFF086  }
0x1c: {  	p1 =	slt.u32 s9, $0xF7A;
	s5 =	simm.s32 @!p2 $0x0  }
0x1d: {  	s5 =	simm.s32 @p1 $0x1;
	p0 =	seq.s32 s7, s2  }
0x1e: {  	s7 =	smul.u32 @!p0 $0xF7A, s2;
	p2 =	seq.s32 @!p0 s5, $0x0  }
0x1f: {  	s9 =	smul.u32 $0xF7A, s1;
	s8 =	simm.s32 @!p0 $0x1BF5;
	p2 =	por !p2, p0  }
0x20: {  	[sflag:s8] =	ssyncset.s32 @!p0 $0xFFFFF086;
	s6 =	sadd.s32 @!p0 s3, s7;
	s7 =	simm.s32 @!p0 $0x108  }
0x21: {  	s3 =	sadd.s32 s3, s9;
	s6 =	sadd.s32 @!p0 $0x88, s6;
	s7 =	simm.s32 @p2 $0x1082  }
0x22: {  	[simem:s7], [sflag:s8] =	dma.local @!p0 [hbm:s6], $0xF7A  }
0x23: {  	s9 =	sor.u32 $0xD0000000, s2;
	s6 =	simm.s32 $0x108;
	_ =	swait.ge @!p0 [sflag:s8], $0x0  }
0x24: {  	s3 =	sadd.s32 $0x88, s3;
	s6 =	simm.s32 @!p1 $0x1082;
	[sflag:s4] =	ssyncset.s32 $0xFFFFF086  }
0x25: {  	[simem:s6], [sflag:s4] =	dma.local [hbm:s3], $0xF7A  }
0x26: {  	[smem:$0x3F99] =	sst s1;
	(tag) =	ssettag s2;
	_ =	strace s9  }
0x27: {  	s1 =	sld [smem:$0x3FA9]  }
0x28: {  	s2 =	sld [smem:$0x3FAA]  }
0x29: {  	s4 =	sld [smem:$0x3FAC]  }
0x2a: {  	p0 =	seq.s32 s5, $0x0;
	s5 =	sld [smem:$0x3FAD]  }
0x2b: {  	s6 =	sld [smem:$0x3FAE]  }
0x2c: {  	s7 =	sld [smem:$0x3FAF]  }
0x2d: {  	s3 =	simm.s32 $0x108;
	s8 =	sld [smem:$0x3FB0]  }
0x2e: {  	s3 =	simm.s32 @!p0 $0x1082;
	s9 =	sld [smem:$0x3FB1]  }
0x2f: {  	lr =	sadd.s32 s0, s3;
	s0 =	sld [smem:$0x3FA8]  }
0x30: {  	s3 =	sld [smem:$0x3FAB]  }
0x31: {  	[smem:$0x3FB4] =	sst s10  }
0x32: {  	s10 =	sld [smem:$0x3FB2];
	_ =	sdelay $0x3  }
0x33: {  	p0 =	seq.s32 s10, $0x1;
	s10 =	sld [smem:$0x3FB4];
	_ =	sdelay $0x3  }
0x34: {  	[smem:$0x3FB4] =	sst s10  }
0x35: {  	s10 =	sld [smem:$0x3FB3];
	_ =	sdelay $0x3  }
0x36: {  	p1 =	seq.s32 s10, $0x1;
	s10 =	sld [smem:$0x3FB4];
	_ =	sdelay $0x3  }
0x37: {  	[smem:$0x3FB4] =	sst s10  }
0x38: {  	s10 =	sld [smem:$0x3FB5]  }
0x39: {  	_ = 	snop;
	(pc) =	sbr.ind lr, $3  }
0x3a: {  	_ = 	snop  }
0x3b: {  	_ = 	snop  }
0x3c: {  	p2 =	seq.s32 s10, $0x1;
	s10 =	sld [smem:$0x3FB4]  }
0x3d: {  	_ =	shalt  }
0x3e: {  	_ =	shalt  }
0x3f: {  	_ =	shalt  }
0x40: {  	_ =	shalt  }
0x41: {  	_ =	shalt  }
0x42: {  	_ =	shalt  }
0x43: {  	_ =	shalt  }
0x44: {  	_ =	shalt  }
0x45: {  	_ =	shalt  }
0x46: {  	_ =	shalt  }
0x47: {  	_ =	shalt  }
0x48: {  	_ =	shalt  }
0x49: {  	_ =	shalt  }
0x4a: {  	_ =	shalt  }
0x4b: {  	_ =	shalt  }
0x4c: {  	_ =	shalt  }
0x4d: {  	_ =	shalt  }
0x4e: {  	_ =	shalt  }
0x4f: {  	_ =	shalt  }
0x50: {  	_ =	shalt  }
0x51: {  	_ =	shalt  }
0x52: {  	_ =	shalt  }
0x53: {  	_ =	shalt  }
0x54: {  	_ =	shalt  }
0x55: {  	_ =	shalt  }
0x56: {  	_ =	shalt  }
0x57: {  	_ =	shalt  }
0x58: {  	_ =	shalt  }
0x59: {  	_ =	shalt  }
0x5a: {  	_ =	shalt  }
0x5b: {  	_ =	shalt  }
0x5c: {  	_ =	shalt  }
0x5d: {  	_ =	shalt  }
0x5e: {  	_ =	shalt  }
0x5f: {  	_ =	shalt  }
0x60: {  	_ =	shalt  }
0x61: {  	_ =	shalt  }
0x62: {  	_ =	shalt  }
0x63: {  	_ =	shalt  }
0x64: {  	_ =	shalt  }
0x65: {  	_ =	shalt  }
0x66: {  	_ =	shalt  }
0x67: {  	_ =	shalt  }
0x68: {  	_ =	shalt  }
0x69: {  	_ =	shalt  }
0x6a: {  	_ =	shalt  }
0x6b: {  	_ =	shalt  }
0x6c: {  	_ =	shalt  }
0x6d: {  	_ =	shalt  }
0x6e: {  	_ =	shalt  }
0x6f: {  	_ =	shalt  }
0x70: {  	_ =	shalt  }
0x71: {  	_ =	shalt  }
0x72: {  	_ =	shalt  }
0x73: {  	_ =	shalt  }
0x74: {  	_ =	shalt  }
0x75: {  	_ =	shalt  }
0x76: {  	_ =	shalt  }
0x77: {  	_ =	shalt  }
0x78: {  	_ =	shalt  }
0x79: {  	_ =	shalt  }
0x7a: {  	_ =	shalt  }
0x7b: {  	_ =	shalt  }
0x7c: {  	_ =	shalt  }
0x7d: {  	_ =	shalt  }
0x7e: {  	_ =	shalt  }
0x7f: {  	_ =	shalt  }
0x80: {  	_ =	shalt  }
0x81: {  	_ =	shalt  }
0x82: {  	_ =	shalt  }
0x83: {  	_ =	shalt  }
0x84: {  	_ =	shalt  }
0x85: {  	_ =	shalt  }
0x86: {  	_ =	shalt  }
0x87: {  	_ =	shalt  }
.Lfunc_end0:
.L_simem_size_0:
called_computation_lowered:
.L_overlay_start_0:
0x88: {  	s2 =	sld [smem:$0x3FD9]  }
0x89: {  	s3 =	sld [smem:$0x3FFE];
	_ =	sdelay $0x1  }
0x8a: {  	s1 =	srdreg.scid  }
0x8b: {  	s0 =	sand.u32 $0x1, s1  }
0x8c: {  	s17 =	sshll.u32 s0, $0xA;
	s2 =	sadd.s32 s3, s2  }
0x8d: {  	s2 =	sadd.s32 s2, s17  }
0x8e: {  	[smem:$0x3FC0] =	sst s2  }
0x8f: {  	_ = 	snop  }
0x90: {  	s2 =	sld [smem:$0x3FC2];
	(tm) =	ssettm $0x1  }
0x91: {  	s18 =	sld [smem:$0x3FFB];
	_ =	sdelay $0x3  }
0x92: {  	_ =	strace s18  }
0x93: {  	s3 =	sld [smem:$0x3FFC];
	_ =	sdelay $0x3  }
0x94: {  	_ =	strace s3  }
0x95: {  	s3 =	sld [smem:$0x3FFD];
	_ =	sdelay $0x3  }
0x96: {  	_ =	strace s3  }
0x97: {  	_ =	strace $0x8FFFFFFF  }
0x98: {  	s19 =	sld [smem:$0x3FDB];
	_ =	sdelay $0x1  }
0x99: {  	s4 =	simm.s32 $_scs_section_size  }
0x9a: {  	s5 =	simm.s32 $_size__tile_overlayer_lowered;
	s6 =	simm.s32 $_tile_overlayer_lowered  }
0x9b: {  	s22 =	simm.s32 $0x1BFF;
	s21 =	sshll.u32 s6, $0x1;
	s3 =	sadd.s32 s4, s19  }
0x9c: {  	s7 =	simm.s32 $0x0;
	s20 =	sshll.u32 s5, $0x1;
	s5 =	sadd.s32 s21, s3  }
0x9d: {  	[timem:s7], [sflag:s22] =	dma.local [hbm:s5], s20  }
0x9e: {  	_ =	swait.ge [sflag:s22], s20  }
0x9f: {  	s4 =	ssub.s32 $0x0, s20;
	[sflag:s22] =	ssyncset.done $0x0  }
0xa0: {  	[sflag:s22] =	ssyncadd.s32 s4;
	_ =	sdelay $0x1  }
0xa1: {  	s23 =	simm.s32 $0x1B8B  }
0xa2: {  	_ =	swait.ge [sflag:s23], $0x1  }
0xa3: {  	[sflag:s23] =	ssyncset.done $0x0  }
0xa4: {  	s25 =	simm.s32 $0x1B8E;
	s24 =	sld [smem:$0x3FFE];
	[sflag:s23] =	ssyncadd.s32 $0xFFFFFFFF  }
0xa5: {  	s26 =	simm.s32 $execute0_lowered;
	[smem:$0x3FD2] =	sst s25  }
0xa6: {  	s5 =	sshll.u32 s26, $0x1;
	_ =	strace $0x80000046;
	[dreg:$0x1] =	wrdreg $0xFFFFFFFF  }
0xa7: {  	s28 =	simm.s32 $_size_execute0_lowered;
	s3 =	sadd.s32 s3, s5;
	[dreg:$0x0] =	wrdreg $0x0  }
0xa8: {  	s5 =	sshll.u32 s28, $0x1;
	[dreg:$0x2] =	wrdreg s3  }
0xa9: {  	[dreg:$0x3] =	wrdreg s5  }
0xaa: {  	[dreg:$0x4] =	wrdreg $0xC0  }
0xab: {  	_ =	task [dreg:s7], $0x5FFFF  }
0xac: {  	[dreg:$0x1] =	wrdreg $0xFFFFFFFF  }
0xad: {  	[dreg:$0x0] =	wrdreg $0x60  }
0xae: {  	[dreg:$0x2] =	wrdreg s2  }
0xaf: {  	[dreg:$0x3] =	wrdreg s24  }
0xb0: {  	[dreg:$0x4] =	wrdreg $0x9  }
0xb1: {  	_ =	task.clear_ibuf [dreg:s7], $0x5FFFF;
	_ =	strace $0x90000046  }
0xb2: {  	s29 =	simm.s32 $0x9;
	_ =	strace $0x80000048  }
0xb3: {  	_ =	swait.ge [sflag:s29], $0x1  }
0xb4: {  	[sflag:s29] =	ssyncadd.s32 $0xFFFFFFFF  }
0xb5: {  	_ =	strace $0x90000048  }
0xb6: {  	_ =	sfence  }
0xb7: {  	s30 =	sld [smem:$0x0];
	_ =	sdelay $0x2  }
0xb8: {  	s31 =	sshll.u32 s1, $0xD;
	s1 =	sshrl.u32 s1, $0x2  }
0xb9: {  	s3 =	sand.u32 $0x4000, s31;
	s1 =	sadd.s32 s1, s30  }
0xba: {  	s0 =	sor.u32 s3, s0;
	s1 =	sshll.u32 s1, $0x11  }
0xbb: {  	s0 =	sor.u32 s1, s0  }
0xbc: {  	s0 =	sadd.s32 $0x8F2B, s0  }
0xbd: {  	[sflag:s0] =	ssyncadd.remote.s32 $0x1  }
0xbe: {  	_ =	sfence.sel $0xFFFF  }
0xbf: {  	[dreg:$0x0] =	wrdreg $0xFFFFFFFF;
	(pc) =	sbr.abs _section_cstart, $3  }
0xc0: {  	[dreg:$0x1] =	wrdreg $0xFFFFFFFF  }
0xc1: {  	_ =	task.clear_ibuf [dreg:s7], $0x2FFFF;
	_ =	strace $0x9FFFFFFF  }
0xc2: {  	(tm) =	ssettm $0x7FFFFFFF  }
0xc3: {  	_ =	shalt  }
tec
execute0_lowered:
.L_overlay_start_1:
0x0: {  	(tag) =	ssettag $0x1  }
0x1: {  	s2 =	rddreg [dreg:$0x0]  }
0x2: {  	s3 =	rddreg [dreg:$0x1]  }
0x3: {  	s0 =	rddreg [dreg:$0x2];
	s1 =	srdreg.scid;
	_ =	strace $0x80000047  }
0x4: {  	s4 =	simm.s32 $0x1;
	s9 =	simm.s32 $0x3;
	s5 =	sshll.u32 s1, $0x4  }
.Ltmp0:
0x5: {  	s1 =	stileid.u32;
	s5 =	sand.u32 $0x10, s5;
	(pc) =	sbr.rel .LBB2_1-.Ltmp0, $4  }
0x6: {  	s12 =	simm.s32 $0x0;
	s10 =	simm.s32 $0x0;
	s6 =	sor.u32 s1, s5  }
0x7: {  	[sflag:s4] =	ssyncpa.u1 $0x0;
	s5 =	simm.s32 $0x2;
	s6 =	sshll.u32 s6, $0x7  }
0x8: {  	s7 =	sadd.s32 $0x200, s3;
	[sflag:s5] =	ssyncpa.u1 $0x0;
	s8 =	sadd.s32 $0x80, s6  }
0x9: {  	vm0 =	vmmov $0xff;
	vm1 =	vcmask $0x3F20;
	[sflag:s9] =	ssyncpa.u1 $0x0;
	s9 =	simm.s32 $0x80;
	s11 =	smov.u32 s6  }
.LBB2_10:
0xa: {  	[hbm:s16] =	stream.linear.scatter [tilespmem:s13], [sflag:$0x3], $0x800, $0x38;
	[tilespmem:$0x10100] =	vst v63  }
.LBB2_11:
0xb: {  	p0 =	seq.s32 s10, $0x2  }
.Ltmp1:
0xc: {  	_ = 	snop;
	(pc) =	sbr.rel @p0 .LBB2_13-.Ltmp1, $1  }
0xd: {  	_ =	sdelay $0x3  }
.LBB2_12:
0xe: {  	s12 =	sadd.s32 $0x80, s11  }
0xf: {  	s13 =	smov.u32 s6;
	p0 =	slt.s32 s12, s8  }
0x10: {  	s13 =	smov.u32 @p0 s12  }
0x11: {  	s10 =	sadd.s32 $0x1, s10;
	s12 =	smov.u32 s11;
	s11 =	smov.u32 s13  }
.LBB2_1:
0x12: {  	p0 =	sne.s32 s10, $0x0  }
.Ltmp2:
0x13: {  	_ = 	snop;
	(pc) =	sbr.rel @!p0 .LBB2_2-.Ltmp2, $1  }
0x14: {  	_ =	sdelay $0x3  }
0x15: {  	s13 =	sand.u32 $0x1, s10  }
0x16: {  	p0 =	seq.s32 s13, $0x0  }
.Ltmp3:
0x17: {  	_ = 	snop;
	(pc) =	sbr.rel @p0 .LBB2_11-.Ltmp3, $1  }
0x18: {  	_ =	sdelay $0x3  }
0x19: {  	_ =	swait.ge [sflag:s5], $0x80  }
0x1a: {  	[sflag:s5] =	ssyncset.done $0x0  }
0x1b: {  	s13 =	simm.s32 $0x0;
	[sflag:s5] =	ssyncadd.s32 $0xFFFFFF80  }
.LBB2_5:
0x1c: {  	s14 =	sshll.u32 s13, $0x4  }
0x1d: {  	s14 =	sand.u32 $0x3FFFFFF0, s14  }
0x1e: {  	v0 =	vld.msk [tilespmem:s14+$0x80 ss:$0x1], $0xffff;
	_ =	sdelay $0x4  }
0x1f: {  	vm2 =	vgt.s32 v0, $0x0  }
0x20: {  	v0 =	vnsel vm2, $0x0, v0  }
0x21: {  	v0 =	vmin.u32 v0, $0x1FFF  }
0x22: {  	s31 =	sshll.u32 s13, $0xC;
	v1 =	vshll.u32 v0, $0x5;
	v0 =	vshll.u32 v0, $0x4  }
0x23: {  	s14 =	sand.u32 $0x3FFFF000, s31;
	v1 =	vand.u32 $0x3FF00, v1;
	v0 =	vand.u32 $0x70, v0  }
0x24: {  	p0 =	por $0x1, $0x1;
	s15 =	simm.s32 $0x0;
	s14 =	sadd.s32 $0x8100, s14;
	v0 =	vor.u32 v0, v1  }
.LBB2_6:
0x25: {  	_ =	sdelay $0x1  }
0x26: {  	s15 =	sshra.s32 s15, $0x2;
	p1 =	por p0, p0  }
.Ltmp4:
0x27: {  	s15 =	sadd.s32 s15, s14;
	(pc) =	sbr.rel @p1 .LBB2_6-.Ltmp4, $4  }
0x28: {  	[tilespmem:s15], [sflag:$0x1] =	stream.indirect_vreg.gather [hbm:s2], $0x80, v0, vm0, $0x38;
	[tilespmem:$0x10100] =	vst v63  }
0x29: {  	s15 =	sadd.s32 $0x800, s15  }
0x2a: {  	[tilespmem:s15], [sflag:$0x1] =	stream.indirect_vreg.gather [hbm:s2], $0x80, v0, vm1, $0x38;
	[tilespmem:$0x10100] =	vst v63  }
0x2b: {  	p0 =	por $0x0, $0x0;
	v0 =	vadd.s32 $0x80, v0;
	s15 =	simm.s32 $0x1000  }
0x2c: {  	s13 =	sadd.s32 $0x1, s13  }
0x2d: {  	p0 =	sne.s32 s13, $0x8  }
.Ltmp5:
0x2e: {  	_ = 	snop;
	(pc) =	sbr.rel @p0 .LBB2_5-.Ltmp5, $1  }
0x2f: {  	_ =	sdelay $0x3  }
0x30: {  	s13 =	sshll.u32 s12, $0x5  }
0x31: {  	_ =	swait.ge [sflag:s4], $0x8000;
	s31 =	sshll.u32 s12, $0x4;
	s13 =	sand.u32 $0xFFFFFF00, s13  }
0x32: {  	s14 =	simm.s32 $0x100;
	s12 =	sand.u32 $0x70, s31;
	s13 =	sadd.s32 s13, s7  }
0x33: {  	s15 =	simm.s32 $0x8900;
	[sflag:s4] =	ssyncset.done $0x0;
	s12 =	sadd.s32 s12, s13  }
0x34: {  	[sflag:s4] =	ssyncadd.s32 $0xFFFF8000;
	s13 =	simm.s32 $0x8100;
	s16 =	sadd.s32 $0x0, s12  }
.LBB2_9:
0x35: {  	[hbm:s16] =	stream.linear.scatter [tilespmem:s13], [sflag:$0x3], $0x800, $0x38;
	[tilespmem:$0x10100] =	vst v63  }
0x36: {  	s16 =	smov.u32 s14;
	s13 =	smov.u32 s15;
	p0 =	sne.s32 s14, $0xF00  }
.Ltmp6:
0x37: {  	s14 =	sadd.s32 $0x100, s14;
	(pc) =	sbr.rel @p0 .LBB2_9-.Ltmp6, $2  }
0x38: {  	_ =	sdelay $0x2  }
0x39: {  	s15 =	sadd.s32 $0x800, s15;
	s16 =	sadd.s32 s16, s12  }
.Ltmp7:
0x3a: {  	_ = 	snop;
	(pc) =	sbr.rel .LBB2_10-.Ltmp7, $1  }
0x3b: {  	_ =	sdelay $0x3  }
.LBB2_2:
.Ltmp8:
0x3c: {  	(pc) =	sbr.rel .LBB2_12-.Ltmp8, $4  }
0x3d: {  	_ = 	snop  }
0x3e: {  	s12 =	sshrl.u32 s11, $0x3  }
0x3f: {  	s13 =	sand.u32 $0x7, s11;
	s12 =	sadd.s32 s3, s12  }
0x40: {  	[tilespmem:s9], [sflag:$0x2] =	stream.linear.gather [hbm4b:s12+s13], $0x80, $0x38;
	[tilespmem:$0x10100] =	vst v63  }
.LBB2_13:
0x41: {  	s2 =	simm.s32 $0x3  }
0x42: {  	_ =	swait.ge [sflag:s2], $0x8000  }
0x43: {  	[sflag:s2] =	ssyncset.done $0x0  }
0x44: {  	[sflag:s2] =	ssyncadd.s32 $0xFFFF8000  }
0x45: {  	_ =	sfence.sel $0x180000  }
0x46: {  	s3 =	simm.s32 $0x2;
	[bflag:$0x0] =	sbarrier.arrive $0xFFFF  }
0x47: {  	[sflag:s3] =	ssyncpa.u1 $0x1  }
0x48: {  	s31 =	simm.s32 $0x1;
	[sflag:s2] =	ssyncpa.u1 $0x1  }
0x49: {  	[sflag:s31] =	ssyncpa.u1 $0x1  }
0x4a: {  	p0 =	sne.s32 s1, $0x0;
	_ =	strace $0x90000047  }
0x4b: {  	s0 =	sadd.s32 @!p0 $0x100000, s0;
	[bflag:$0x2] =	sbarrier.arrive $0xFFFF  }
0x4c: {  	[sflag:s0] =	ssyncadd.tile.s32 @!p0 $0x1;
	_ =	shalt  }
.Lfunc_end2:
_tile_overlayer_lowered:
.L_overlay_start_2:
0x4d: {  	(tag) =	ssettag $0x2  }
0x4e: {  	s0 =	rddreg [dreg:$0x0];
	s2 =	stileid.u32  }
0x4f: {  	s1 =	rddreg [dreg:$0x1];
	p0 =	sne.s32 s2, $0x0  }
0x50: {  	s3 =	rddreg [dreg:$0x2];
	[bflag:$0x3] =	sbarrier.arrive $0xFFFF;
	s2 =	simm.s32 @!p0 $0x1C01  }
0x51: {  	[timem:s3], [sflag:s2] =	dma.local @!p0 [hbm:s0], s1  }
0x52: {  	s0 =	simm.s32 @!p0 $0x1  }
0x53: {  	_ =	swait.ge @!p0 [sflag:s0], s1  }
0x54: {  	s1 =	ssub.s32 @!p0 $0x0, s1;
	[sflag:s0] =	ssyncset.done @!p0 $0x0  }
0x55: {  	[sflag:s0] =	ssyncadd.s32 @!p0 s1  }
0x56: {  	[bflag:$0x3] =	sbarrier.arrive $0xFFFF  }
0x57: {  	_ =	shalt  }

</sc_bundles>
